<compile_context>
chip_gen: v7x
topology: tpu7x:2x2x1
jax: 0.10.2.dev20260603
libtpu: 0.0.44.dev20260713+nightly
codegen_flags: <defaults>
</compile_context>

<pallas_src>
import functools

import jax
import jax.numpy as jnp
from jax import lax
from jax.experimental import pallas as pl
from jax.experimental.pallas import tpu as pltpu
from jax.experimental.pallas import tpu_sc as plsc

N_ASSETS = 64
N_REGIMES = 8
HIDDEN = 256

_SC_CORES = 2
_SC_SUBCORES = 16
_SC_WORKERS = _SC_CORES * _SC_SUBCORES
_FILL_ROWS = 128


def _tc_body(x_ref, w1_ref, b1_ref, w2_ref, b2_ref, wh_ref, bh_ref,
             mean_ref, *, tile_rows):
    xt = x_ref[...]
    reg = xt[:, HIDDEN - 1:HIDDEN].astype(jnp.int32)
    h = jnp.dot(xt, w1_ref[...], preferred_element_type=jnp.float32)
    h = jnp.maximum(h + b1_ref[...], 0.0)
    f = jnp.dot(h, w2_ref[...], preferred_element_type=jnp.float32)
    f = jnp.maximum(f + b2_ref[...], 0.0)
    oa = jnp.dot(f, wh_ref[...], preferred_element_type=jnp.float32)
    oa = oa + bh_ref[...]
    wide = N_REGIMES * N_ASSETS
    col = jax.lax.broadcasted_iota(jnp.int32, (tile_rows, wide), 1)
    sel = jnp.where(col // N_ASSETS == reg, oa, 0.0)
    fold_c = jax.lax.broadcasted_iota(jnp.int32, (wide, N_ASSETS), 0)
    fold_a = jax.lax.broadcasted_iota(jnp.int32, (wide, N_ASSETS), 1)
    fold = (fold_c % N_ASSETS == fold_a).astype(jnp.float32)
    mean = jnp.dot(sel, fold, preferred_element_type=jnp.float32)
    mean_ref[...] = mean * 0.1


def _sc_std_body(ls_hbm, std_hbm, ls_v, buf_v, *, rows_per_worker):
    wid = lax.axis_index("s") * _SC_CORES + lax.axis_index("c")
    pltpu.sync_copy(ls_hbm, ls_v)
    svals = []
    for k in range(N_ASSETS // 16):
        v = ls_v[pl.ds(16 * k, 16)]
        svals.append(jnp.minimum(jnp.maximum(jnp.exp(v), 1e-3), 1.0))

    def fill_row(r, carry):
        for k in range(N_ASSETS // 16):
            buf_v[r, pl.ds(16 * k, 16)] = svals[k]
        return carry

    lax.fori_loop(0, _FILL_ROWS, fill_row, 0)
    base = wid * rows_per_worker
    for m in range(rows_per_worker // _FILL_ROWS):
        pltpu.sync_copy(buf_v, std_hbm.at[pl.ds(base + m * _FILL_ROWS,
                                                _FILL_ROWS)])


def kernel(x, W1, b1, W2, b2, Wh, bh, log_std):
    batch, in_dim = x.shape
    tile_rows = 2048
    grid = (batch // tile_rows,)

    wh_all = jnp.transpose(Wh, (1, 0, 2)).reshape(HIDDEN, N_REGIMES * N_ASSETS)
    bh_all = bh.reshape(1, N_REGIMES * N_ASSETS)
    b1r = b1.reshape(1, HIDDEN)
    b2r = b2.reshape(1, HIDDEN)

    const = lambda *_: (0, 0)
    mean, = pl.pallas_call(
        functools.partial(_tc_body, tile_rows=tile_rows),
        grid=grid,
        in_specs=[
            pl.BlockSpec((tile_rows, in_dim), lambda i: (i, 0)),
            pl.BlockSpec((in_dim, HIDDEN), const),
            pl.BlockSpec((1, HIDDEN), const),
            pl.BlockSpec((HIDDEN, HIDDEN), const),
            pl.BlockSpec((1, HIDDEN), const),
            pl.BlockSpec((HIDDEN, N_REGIMES * N_ASSETS), const),
            pl.BlockSpec((1, N_REGIMES * N_ASSETS), const),
        ],
        out_specs=[
            pl.BlockSpec((tile_rows, N_ASSETS), lambda i: (i, 0)),
        ],
        out_shape=[
            jax.ShapeDtypeStruct((batch, N_ASSETS), jnp.float32),
        ],
        compiler_params=pltpu.CompilerParams(
            dimension_semantics=("arbitrary",),
        ),
    )(x, W1, b1r, W2, b2r, wh_all, bh_all)

    rows_per_worker = batch // _SC_WORKERS
    std_kernel = pl.kernel(
        functools.partial(_sc_std_body, rows_per_worker=rows_per_worker),
        mesh=plsc.VectorSubcoreMesh(core_axis_name="c", subcore_axis_name="s"),
        out_type=jax.ShapeDtypeStruct((batch, N_ASSETS), jnp.float32),
        scratch_types=[
            pltpu.VMEM((N_ASSETS,), jnp.float32),
            pltpu.VMEM((_FILL_ROWS, N_ASSETS), jnp.float32),
        ],
    )
    std = std_kernel(log_std)
    return (mean, std)

# --- scband reference (transcript-rebuilt; emitter-appended) ---
"""Pipeline reference for scband-hard-actor-31937376813217 (READ-ONLY COPY).

The authoritative reference and input builder live on the scoring server;
editing this copy changes nothing except your own understanding.
"""

import jax, jax.numpy as jnp
import numpy as np

N_ASSETS = 64
N_REGIMES = 8
HIDDEN = 256
INPUT_DIM = 256
BATCH = 16384


def setup_inputs(seed: int = 0) -> dict:
    key = jax.random.key(seed)
    ks = jax.random.split(key, 8)
    x = jax.random.normal(ks[0], (BATCH, INPUT_DIM), dtype=jnp.float32)
    # last column encodes regime index (as float), like the torch module expects
    regimes = jax.random.randint(ks[1], (BATCH,), 0, N_REGIMES).astype(jnp.float32)
    x = x.at[:, -1].set(regimes)
    W1 = jax.random.normal(ks[2], (INPUT_DIM, HIDDEN), dtype=jnp.float32) / np.sqrt(INPUT_DIM)
    b1 = jnp.zeros((HIDDEN,), dtype=jnp.float32)
    W2 = jax.random.normal(ks[3], (HIDDEN, HIDDEN), dtype=jnp.float32) / np.sqrt(HIDDEN)
    b2 = jnp.zeros((HIDDEN,), dtype=jnp.float32)
    Wh = jax.random.normal(ks[4], (N_REGIMES, HIDDEN, N_ASSETS), dtype=jnp.float32) / np.sqrt(HIDDEN)
    bh = jnp.zeros((N_REGIMES, N_ASSETS), dtype=jnp.float32)
    log_std = jnp.zeros((N_ASSETS,), dtype=jnp.float32)
    return {"x": x, "W1": W1, "b1": b1, "W2": W2, "b2": b2, "Wh": Wh, "bh": bh, "log_std": log_std}


def reference(x, W1, b1, W2, b2, Wh, bh, log_std):
    regime_idx = x[:, -1].astype(jnp.int32)
    h = jax.nn.relu(x @ W1 + b1)
    feats = jax.nn.relu(h @ W2 + b2)
    raw = jnp.zeros((x.shape[0], N_ASSETS), dtype=x.dtype)
    for i in range(N_REGIMES):
        mask = regime_idx == i
        out_i = feats @ Wh[i] + bh[i]
        raw = jnp.where(mask[:, None], out_i, raw)
    mean = raw * 0.1
    std = jnp.clip(jnp.exp(log_std), 1e-3, 1.0)
    std = jnp.broadcast_to(std[None, :], mean.shape)
    return (mean, std)

if __name__ == "__main__":
    import jax
    _d = setup_inputs()
    print(jax.jit(kernel)(*tuple(_d.values())))

</pallas_src>

<mosaic_0001>
#map = affine_map<(d0, d1) -> (0)>
#map1 = affine_map<(d0, d1) -> (0, 0)>
module attributes {stable_mosaic.version = 14 : i64} {
  func.func @_sc_std_body(%arg0: i32, %arg1: i32, %arg2: memref<64xf32, #tpu.memory_space<hbm>>, %arg3: memref<16384x64xf32, #tpu.memory_space<hbm>>, %arg4: memref<64xf32, #tpu.memory_space<vmem>>, %arg5: memref<128x64xf32, #tpu.memory_space<vmem>>) attributes {dimension_semantics = [#tpu.dimension_semantics<core_parallel>, #tpu.dimension_semantics<subcore_parallel>], iteration_bounds = array<i64: 2, 16>, scalar_prefetch = 0 : i64, scratch_operands = 2 : i64, tpu.core_type = #tpu.core_type<sc_vector_subcore>, window_params = [{transform_indices = #map}, {transform_indices = #map1}]} {
    %mul3A = arith.constant 2 : i32
    %mul3A_0 = arith.muli %arg1, %mul3A : i32
    %add3A = arith.addi %mul3A_0, %arg0 : i32
    "tpu.region"() ({
      %run_scoped3A = tpu.sem_alloc : memref<!tpu.dma_semaphore, #tpu.memory_space<semaphore_mem>>
      tpu.enqueue_dma source(%arg2 : memref<64xf32, #tpu.memory_space<hbm>>) target(%arg4 : memref<64xf32, #tpu.memory_space<vmem>>) target_semaphore(%run_scoped3A : memref<!tpu.dma_semaphore, #tpu.memory_space<semaphore_mem>>)
      tpu.wait_dma2 semaphore(%run_scoped3A : memref<!tpu.dma_semaphore, #tpu.memory_space<semaphore_mem>>) src(%arg2 : memref<64xf32, #tpu.memory_space<hbm>>) dst(%arg4 : memref<64xf32, #tpu.memory_space<vmem>>)
      tpu.yield
    }) : () -> ()
    %get3A = arith.constant 0 : index
    %get3A_1 = tpu.vector_load %arg4[%get3A] {strides = array<i32>} : memref<64xf32, #tpu.memory_space<vmem>>, vector<16xf32>,
    %get3A_2 = vector.shape_cast %get3A_1 : vector<16xf32> to vector<16xf32>
    %exp3A = math.exp %get3A_2 : vector<16xf32>
    %max3A = arith.constant 1.000000e-03 : f32
    %max3A_3 = vector.broadcast %max3A : f32 to vector<16xf32>
    %max3A_4 = arith.maximumf %exp3A, %max3A_3 : vector<16xf32>
    %min3A = arith.constant 1.000000e+00 : f32
    %min3A_5 = vector.broadcast %min3A : f32 to vector<16xf32>
    %min3A_6 = arith.minimumf %max3A_4, %min3A_5 : vector<16xf32>
    %get3A_7 = arith.constant 16 : index
    %get3A_8 = tpu.vector_load %arg4[%get3A_7] {strides = array<i32>} : memref<64xf32, #tpu.memory_space<vmem>>, vector<16xf32>,
    %get3A_9 = vector.shape_cast %get3A_8 : vector<16xf32> to vector<16xf32>
    %exp3A_10 = math.exp %get3A_9 : vector<16xf32>
    %max3A_11 = arith.constant 1.000000e-03 : f32
    %max3A_12 = vector.broadcast %max3A_11 : f32 to vector<16xf32>
    %max3A_13 = arith.maximumf %exp3A_10, %max3A_12 : vector<16xf32>
    %min3A_14 = arith.constant 1.000000e+00 : f32
    %min3A_15 = vector.broadcast %min3A_14 : f32 to vector<16xf32>
    %min3A_16 = arith.minimumf %max3A_13, %min3A_15 : vector<16xf32>
    %get3A_17 = arith.constant 32 : index
    %get3A_18 = tpu.vector_load %arg4[%get3A_17] {strides = array<i32>} : memref<64xf32, #tpu.memory_space<vmem>>, vector<16xf32>,
    %get3A_19 = vector.shape_cast %get3A_18 : vector<16xf32> to vector<16xf32>
    %exp3A_20 = math.exp %get3A_19 : vector<16xf32>
    %max3A_21 = arith.constant 1.000000e-03 : f32
    %max3A_22 = vector.broadcast %max3A_21 : f32 to vector<16xf32>
    %max3A_23 = arith.maximumf %exp3A_20, %max3A_22 : vector<16xf32>
    %min3A_24 = arith.constant 1.000000e+00 : f32
    %min3A_25 = vector.broadcast %min3A_24 : f32 to vector<16xf32>
    %min3A_26 = arith.minimumf %max3A_23, %min3A_25 : vector<16xf32>
    %get3A_27 = arith.constant 48 : index
    %get3A_28 = tpu.vector_load %arg4[%get3A_27] {strides = array<i32>} : memref<64xf32, #tpu.memory_space<vmem>>, vector<16xf32>,
    %get3A_29 = vector.shape_cast %get3A_28 : vector<16xf32> to vector<16xf32>
    %exp3A_30 = math.exp %get3A_29 : vector<16xf32>
    %max3A_31 = arith.constant 1.000000e-03 : f32
    %max3A_32 = vector.broadcast %max3A_31 : f32 to vector<16xf32>
    %max3A_33 = arith.maximumf %exp3A_30, %max3A_32 : vector<16xf32>
    %min3A_34 = arith.constant 1.000000e+00 : f32
    %min3A_35 = vector.broadcast %min3A_34 : f32 to vector<16xf32>
    %min3A_36 = arith.minimumf %max3A_33, %min3A_35 : vector<16xf32>
    %scan3A = arith.constant 0 : i32
    %scan3A_37 = arith.constant 0 : i32
    %scan3A_38 = arith.constant 128 : i32
    %scan3A_39 = arith.addi %scan3A_37, %scan3A_38 : i32
    %scan3A_40 = arith.constant 1 : i32
    scf.for %scan3A_52 = %scan3A_37 to %scan3A_39 step %scan3A_40  : i32 {
      %swap3A = arith.index_cast %scan3A_52 : i32 to index
      %swap3A_53 = arith.constant 0 : index
      %swap3A_54 = tpu.vector_load %arg5[%swap3A, %swap3A_53] {strides = array<i32>} : memref<128x64xf32, #tpu.memory_space<vmem>>, vector<1x16xf32>,
      %swap3A_55 = vector.shape_cast %swap3A_54 : vector<1x16xf32> to vector<16xf32>
      %swap3A_56 = vector.shape_cast %min3A_6 : vector<16xf32> to vector<1x16xf32>
      tpu.vector_store %arg5[%swap3A, %swap3A_53], %swap3A_56 {strides = array<i32>} : memref<128x64xf32, #tpu.memory_space<vmem>>, vector<1x16xf32>,
      %swap3A_57 = arith.index_cast %scan3A_52 : i32 to index
      %swap3A_58 = arith.constant 16 : index
      %swap3A_59 = tpu.vector_load %arg5[%swap3A_57, %swap3A_58] {strides = array<i32>} : memref<128x64xf32, #tpu.memory_space<vmem>>, vector<1x16xf32>,
      %swap3A_60 = vector.shape_cast %swap3A_59 : vector<1x16xf32> to vector<16xf32>
      %swap3A_61 = vector.shape_cast %min3A_16 : vector<16xf32> to vector<1x16xf32>
      tpu.vector_store %arg5[%swap3A_57, %swap3A_58], %swap3A_61 {strides = array<i32>} : memref<128x64xf32, #tpu.memory_space<vmem>>, vector<1x16xf32>,
      %swap3A_62 = arith.index_cast %scan3A_52 : i32 to index
      %swap3A_63 = arith.constant 32 : index
      %swap3A_64 = tpu.vector_load %arg5[%swap3A_62, %swap3A_63] {strides = array<i32>} : memref<128x64xf32, #tpu.memory_space<vmem>>, vector<1x16xf32>,
      %swap3A_65 = vector.shape_cast %swap3A_64 : vector<1x16xf32> to vector<16xf32>
      %swap3A_66 = vector.shape_cast %min3A_26 : vector<16xf32> to vector<1x16xf32>
      tpu.vector_store %arg5[%swap3A_62, %swap3A_63], %swap3A_66 {strides = array<i32>} : memref<128x64xf32, #tpu.memory_space<vmem>>, vector<1x16xf32>,
      %swap3A_67 = arith.index_cast %scan3A_52 : i32 to index
      %swap3A_68 = arith.constant 48 : index
      %swap3A_69 = tpu.vector_load %arg5[%swap3A_67, %swap3A_68] {strides = array<i32>} : memref<128x64xf32, #tpu.memory_space<vmem>>, vector<1x16xf32>,
      %swap3A_70 = vector.shape_cast %swap3A_69 : vector<1x16xf32> to vector<16xf32>
      %swap3A_71 = vector.shape_cast %min3A_36 : vector<16xf32> to vector<1x16xf32>
      tpu.vector_store %arg5[%swap3A_67, %swap3A_68], %swap3A_71 {strides = array<i32>} : memref<128x64xf32, #tpu.memory_space<vmem>>, vector<1x16xf32>,
    }
    %scan3A_41 = arith.constant 128 : i32
    %mul3A_42 = arith.constant 512 : i32
    %mul3A_43 = arith.muli %add3A, %mul3A_42 : i32
    %add3A_44 = arith.constant 0 : i32
    %add3A_45 = arith.addi %mul3A_43, %add3A_44 : i32
    "tpu.region"() ({
      %run_scoped3A = tpu.sem_alloc : memref<!tpu.dma_semaphore, #tpu.memory_space<semaphore_mem>>
      %dma_start3A = arith.constant 0 : i32
      %dma_start3A_52 = tpu.memref_slice %arg3[%add3A_45, %dma_start3A] : memref<16384x64xf32, #tpu.memory_space<hbm>> -> memref<128x64xf32, #tpu.memory_space<hbm>>
      %dma_start3A_53 = arith.constant 0 : i32
      %dma_start3A_54 = tpu.memref_slice %arg3[%add3A_45, %dma_start3A_53] : memref<16384x64xf32, #tpu.memory_space<hbm>> -> memref<128x64xf32, #tpu.memory_space<hbm>>
      tpu.enqueue_dma source(%arg5 : memref<128x64xf32, #tpu.memory_space<vmem>>) target(%dma_start3A_54 : memref<128x64xf32, #tpu.memory_space<hbm>>) target_semaphore(%run_scoped3A : memref<!tpu.dma_semaphore, #tpu.memory_space<semaphore_mem>>)
      %dma_wait3A = arith.constant 0 : i32
      %dma_wait3A_55 = tpu.memref_slice %arg3[%add3A_45, %dma_wait3A] : memref<16384x64xf32, #tpu.memory_space<hbm>> -> memref<128x64xf32, #tpu.memory_space<hbm>>
      %dma_wait3A_56 = arith.constant 0 : i32
      %dma_wait3A_57 = tpu.memref_slice %arg3[%add3A_45, %dma_wait3A_56] : memref<16384x64xf32, #tpu.memory_space<hbm>> -> memref<128x64xf32, #tpu.memory_space<hbm>>
      tpu.wait_dma2 semaphore(%run_scoped3A : memref<!tpu.dma_semaphore, #tpu.memory_space<semaphore_mem>>) src(%arg5 : memref<128x64xf32, #tpu.memory_space<vmem>>) dst(%dma_wait3A_57 : memref<128x64xf32, #tpu.memory_space<hbm>>)
      tpu.yield
    }) : () -> ()
    %add3A_46 = arith.constant 128 : i32
    %add3A_47 = arith.addi %mul3A_43, %add3A_46 : i32
    "tpu.region"() ({
      %run_scoped3A = tpu.sem_alloc : memref<!tpu.dma_semaphore, #tpu.memory_space<semaphore_mem>>
      %dma_start3A = arith.constant 0 : i32
      %dma_start3A_52 = tpu.memref_slice %arg3[%add3A_47, %dma_start3A] : memref<16384x64xf32, #tpu.memory_space<hbm>> -> memref<128x64xf32, #tpu.memory_space<hbm>>
      %dma_start3A_53 = arith.constant 0 : i32
      %dma_start3A_54 = tpu.memref_slice %arg3[%add3A_47, %dma_start3A_53] : memref<16384x64xf32, #tpu.memory_space<hbm>> -> memref<128x64xf32, #tpu.memory_space<hbm>>
      tpu.enqueue_dma source(%arg5 : memref<128x64xf32, #tpu.memory_space<vmem>>) target(%dma_start3A_54 : memref<128x64xf32, #tpu.memory_space<hbm>>) target_semaphore(%run_scoped3A : memref<!tpu.dma_semaphore, #tpu.memory_space<semaphore_mem>>)
      %dma_wait3A = arith.constant 0 : i32
      %dma_wait3A_55 = tpu.memref_slice %arg3[%add3A_47, %dma_wait3A] : memref<16384x64xf32, #tpu.memory_space<hbm>> -> memref<128x64xf32, #tpu.memory_space<hbm>>
      %dma_wait3A_56 = arith.constant 0 : i32
      %dma_wait3A_57 = tpu.memref_slice %arg3[%add3A_47, %dma_wait3A_56] : memref<16384x64xf32, #tpu.memory_space<hbm>> -> memref<128x64xf32, #tpu.memory_space<hbm>>
      tpu.wait_dma2 semaphore(%run_scoped3A : memref<!tpu.dma_semaphore, #tpu.memory_space<semaphore_mem>>) src(%arg5 : memref<128x64xf32, #tpu.memory_space<vmem>>) dst(%dma_wait3A_57 : memref<128x64xf32, #tpu.memory_space<hbm>>)
      tpu.yield
    }) : () -> ()
    %add3A_48 = arith.constant 256 : i32
    %add3A_49 = arith.addi %mul3A_43, %add3A_48 : i32
    "tpu.region"() ({
      %run_scoped3A = tpu.sem_alloc : memref<!tpu.dma_semaphore, #tpu.memory_space<semaphore_mem>>
      %dma_start3A = arith.constant 0 : i32
      %dma_start3A_52 = tpu.memref_slice %arg3[%add3A_49, %dma_start3A] : memref<16384x64xf32, #tpu.memory_space<hbm>> -> memref<128x64xf32, #tpu.memory_space<hbm>>
      %dma_start3A_53 = arith.constant 0 : i32
      %dma_start3A_54 = tpu.memref_slice %arg3[%add3A_49, %dma_start3A_53] : memref<16384x64xf32, #tpu.memory_space<hbm>> -> memref<128x64xf32, #tpu.memory_space<hbm>>
      tpu.enqueue_dma source(%arg5 : memref<128x64xf32, #tpu.memory_space<vmem>>) target(%dma_start3A_54 : memref<128x64xf32, #tpu.memory_space<hbm>>) target_semaphore(%run_scoped3A : memref<!tpu.dma_semaphore, #tpu.memory_space<semaphore_mem>>)
      %dma_wait3A = arith.constant 0 : i32
      %dma_wait3A_55 = tpu.memref_slice %arg3[%add3A_49, %dma_wait3A] : memref<16384x64xf32, #tpu.memory_space<hbm>> -> memref<128x64xf32, #tpu.memory_space<hbm>>
      %dma_wait3A_56 = arith.constant 0 : i32
      %dma_wait3A_57 = tpu.memref_slice %arg3[%add3A_49, %dma_wait3A_56] : memref<16384x64xf32, #tpu.memory_space<hbm>> -> memref<128x64xf32, #tpu.memory_space<hbm>>
      tpu.wait_dma2 semaphore(%run_scoped3A : memref<!tpu.dma_semaphore, #tpu.memory_space<semaphore_mem>>) src(%arg5 : memref<128x64xf32, #tpu.memory_space<vmem>>) dst(%dma_wait3A_57 : memref<128x64xf32, #tpu.memory_space<hbm>>)
      tpu.yield
    }) : () -> ()
    %add3A_50 = arith.constant 384 : i32
    %add3A_51 = arith.addi %mul3A_43, %add3A_50 : i32
    "tpu.region"() ({
      %run_scoped3A = tpu.sem_alloc : memref<!tpu.dma_semaphore, #tpu.memory_space<semaphore_mem>>
      %dma_start3A = arith.constant 0 : i32
      %dma_start3A_52 = tpu.memref_slice %arg3[%add3A_51, %dma_start3A] : memref<16384x64xf32, #tpu.memory_space<hbm>> -> memref<128x64xf32, #tpu.memory_space<hbm>>
      %dma_start3A_53 = arith.constant 0 : i32
      %dma_start3A_54 = tpu.memref_slice %arg3[%add3A_51, %dma_start3A_53] : memref<16384x64xf32, #tpu.memory_space<hbm>> -> memref<128x64xf32, #tpu.memory_space<hbm>>
      tpu.enqueue_dma source(%arg5 : memref<128x64xf32, #tpu.memory_space<vmem>>) target(%dma_start3A_54 : memref<128x64xf32, #tpu.memory_space<hbm>>) target_semaphore(%run_scoped3A : memref<!tpu.dma_semaphore, #tpu.memory_space<semaphore_mem>>)
      %dma_wait3A = arith.constant 0 : i32
      %dma_wait3A_55 = tpu.memref_slice %arg3[%add3A_51, %dma_wait3A] : memref<16384x64xf32, #tpu.memory_space<hbm>> -> memref<128x64xf32, #tpu.memory_space<hbm>>
      %dma_wait3A_56 = arith.constant 0 : i32
      %dma_wait3A_57 = tpu.memref_slice %arg3[%add3A_51, %dma_wait3A_56] : memref<16384x64xf32, #tpu.memory_space<hbm>> -> memref<128x64xf32, #tpu.memory_space<hbm>>
      tpu.wait_dma2 semaphore(%run_scoped3A : memref<!tpu.dma_semaphore, #tpu.memory_space<semaphore_mem>>) src(%arg5 : memref<128x64xf32, #tpu.memory_space<vmem>>) dst(%dma_wait3A_57 : memref<128x64xf32, #tpu.memory_space<hbm>>)
      tpu.yield
    }) : () -> ()
    return
  }
}

module attributes {stable_mosaic.version = 14 : i64} {
  func.func @_tc_body(%arg0: i32, %arg1: memref<2048x256xf32, #tpu.memory_space<vmem>>, %arg2: memref<256x256xf32, #tpu.memory_space<vmem>>, %arg3: memref<1x256xf32, #tpu.memory_space<vmem>>, %arg4: memref<256x256xf32, #tpu.memory_space<vmem>>, %arg5: memref<1x256xf32, #tpu.memory_space<vmem>>, %arg6: memref<256x512xf32, #tpu.memory_space<vmem>>, %arg7: memref<1x512xf32, #tpu.memory_space<vmem>>, %arg8: memref<2048x64xf32, #tpu.memory_space<vmem>>) attributes {dimension_semantics = [#tpu.dimension_semantics<arbitrary>], iteration_bounds = array<i64: 8>, scalar_prefetch = 0 : i64, scratch_operands = 0 : i64, tpu.core_type = #tpu.core_type<tc>, window_params = [{transform_indices = @transform_0, window_bounds = array<i64: 2048, 256>}, {pipeline_mode = #tpu.pipeline_mode<synchronous>, transform_indices = @transform_1, window_bounds = array<i64: 256, 256>}, {pipeline_mode = #tpu.pipeline_mode<synchronous>, transform_indices = @transform_2, window_bounds = array<i64: 1, 256>}, {pipeline_mode = #tpu.pipeline_mode<synchronous>, transform_indices = @transform_3, window_bounds = array<i64: 256, 256>}, {pipeline_mode = #tpu.pipeline_mode<synchronous>, transform_indices = @transform_4, window_bounds = array<i64: 1, 256>}, {pipeline_mode = #tpu.pipeline_mode<synchronous>, transform_indices = @transform_5, window_bounds = array<i64: 256, 512>}, {pipeline_mode = #tpu.pipeline_mode<synchronous>, transform_indices = @transform_6, window_bounds = array<i64: 1, 512>}, {transform_indices = @transform_7, window_bounds = array<i64: 2048, 64>}]} {
    %get3A = arith.constant 0 : index
    %get3A_0 = arith.constant 0 : index
    %get3A_1 = vector.load %arg1[%get3A, %get3A_0] : memref<2048x256xf32, #tpu.memory_space<vmem>>, vector<2048x256xf32>
    %slice3A = vector.extract_strided_slice %get3A_1 {offsets = [0, 255], sizes = [2048, 1], strides = [1, 1]} : vector<2048x256xf32> to vector<2048x1xf32>
    %convert_element_type3A = arith.fptosi %slice3A : vector<2048x1xf32> to vector<2048x1xi32>
    %get3A_2 = arith.constant 0 : index
    %get3A_3 = arith.constant 0 : index
    %get3A_4 = vector.load %arg2[%get3A_2, %get3A_3] : memref<256x256xf32, #tpu.memory_space<vmem>>, vector<256x256xf32>
    %dot_general3A = arith.constant dense<0.000000e+00> : vector<2048x256xf32>
    %dot_general3A_5 = tpu.matmul %get3A_1, %get3A_4, %dot_general3A {dimension_numbers = #tpu.dot_dimension_numbers<[1], [0], [0], [1], [0, 0, 1, 1], [], []>, transpose_lhs_hint = false} : vector<2048x256xf32>, vector<256x256xf32>, vector<2048x256xf32> -> vector<2048x256xf32>
    %get3A_6 = arith.constant 0 : index
    %get3A_7 = arith.constant 0 : index
    %get3A_8 = vector.load %arg3[%get3A_6, %get3A_7] : memref<1x256xf32, #tpu.memory_space<vmem>>, vector<1x256xf32>
    %add3A = vector.broadcast %get3A_8 : vector<1x256xf32> to vector<2048x256xf32>
    %add3A_9 = arith.addf %dot_general3A_5, %add3A : vector<2048x256xf32>
    %max3A = arith.constant 0.000000e+00 : f32
    %max3A_10 = vector.broadcast %max3A : f32 to vector<2048x256xf32>
    %max3A_11 = arith.maximumf %add3A_9, %max3A_10 : vector<2048x256xf32>
    %get3A_12 = arith.constant 0 : index
    %get3A_13 = arith.constant 0 : index
    %get3A_14 = vector.load %arg4[%get3A_12, %get3A_13] : memref<256x256xf32, #tpu.memory_space<vmem>>, vector<256x256xf32>
    %dot_general3A_15 = arith.constant dense<0.000000e+00> : vector<2048x256xf32>
    %dot_general3A_16 = tpu.matmul %max3A_11, %get3A_14, %dot_general3A_15 {dimension_numbers = #tpu.dot_dimension_numbers<[1], [0], [0], [1], [0, 0, 1, 1], [], []>, transpose_lhs_hint = false} : vector<2048x256xf32>, vector<256x256xf32>, vector<2048x256xf32> -> vector<2048x256xf32>
    %get3A_17 = arith.constant 0 : index
    %get3A_18 = arith.constant 0 : index
    %get3A_19 = vector.load %arg5[%get3A_17, %get3A_18] : memref<1x256xf32, #tpu.memory_space<vmem>>, vector<1x256xf32>
    %add3A_20 = vector.broadcast %get3A_19 : vector<1x256xf32> to vector<2048x256xf32>
    %add3A_21 = arith.addf %dot_general3A_16, %add3A_20 : vector<2048x256xf32>
    %max3A_22 = arith.constant 0.000000e+00 : f32
    %max3A_23 = vector.broadcast %max3A_22 : f32 to vector<2048x256xf32>
    %max3A_24 = arith.maximumf %add3A_21, %max3A_23 : vector<2048x256xf32>
    %get3A_25 = arith.constant 0 : index
    %get3A_26 = arith.constant 0 : index
    %get3A_27 = vector.load %arg6[%get3A_25, %get3A_26] : memref<256x512xf32, #tpu.memory_space<vmem>>, vector<256x512xf32>
    %dot_general3A_28 = arith.constant dense<0.000000e+00> : vector<2048x512xf32>
    %dot_general3A_29 = tpu.matmul %max3A_24, %get3A_27, %dot_general3A_28 {dimension_numbers = #tpu.dot_dimension_numbers<[1], [0], [0], [1], [0, 0, 1, 1], [], []>, transpose_lhs_hint = false} : vector<2048x256xf32>, vector<256x512xf32>, vector<2048x512xf32> -> vector<2048x512xf32>
    %get3A_30 = arith.constant 0 : index
    %get3A_31 = arith.constant 0 : index
    %get3A_32 = vector.load %arg7[%get3A_30, %get3A_31] : memref<1x512xf32, #tpu.memory_space<vmem>>, vector<1x512xf32>
    %add3A_33 = vector.broadcast %get3A_32 : vector<1x512xf32> to vector<2048x512xf32>
    %add3A_34 = arith.addf %dot_general3A_29, %add3A_33 : vector<2048x512xf32>
    %iota3A = tpu.iota {dimensions = array<i32: 1>} : vector<2048x512xi32>
    %jit3A = arith.constant 64 : i32
    %div3A = vector.broadcast %jit3A : i32 to vector<2048x512xi32>
    %div3A_35 = arith.divsi %iota3A, %div3A : vector<2048x512xi32>
    %sign3A = arith.constant 0 : i32
    %sign3A_36 = vector.broadcast %sign3A : i32 to vector<2048x512xi32>
    %sign3A_37 = arith.cmpi sgt, %iota3A, %sign3A_36 : vector<2048x512xi32>
    %sign3A_38 = arith.extui %sign3A_37 : vector<2048x512xi1> to vector<2048x512xi32>
    %sign3A_39 = arith.constant 0 : i32
    %sign3A_40 = vector.broadcast %sign3A_39 : i32 to vector<2048x512xi32>
    %sign3A_41 = arith.cmpi slt, %iota3A, %sign3A_40 : vector<2048x512xi32>
    %sign3A_42 = arith.extui %sign3A_41 : vector<2048x512xi1> to vector<2048x512xi32>
    %sign3A_43 = arith.subi %sign3A_38, %sign3A_42 : vector<2048x512xi32>
    %sign3A_44 = arith.constant 0 : i32
    %sign3A_45 = arith.cmpi sgt, %jit3A, %sign3A_44 : i32
    %sign3A_46 = arith.extui %sign3A_45 : i1 to i32
    %sign3A_47 = arith.constant 0 : i32
    %sign3A_48 = arith.cmpi slt, %jit3A, %sign3A_47 : i32
    %sign3A_49 = arith.extui %sign3A_48 : i1 to i32
    %sign3A_50 = arith.subi %sign3A_46, %sign3A_49 : i32
    %ne3A = vector.broadcast %sign3A_50 : i32 to vector<2048x512xi32>
    %ne3A_51 = arith.cmpi ne, %sign3A_43, %ne3A : vector<2048x512xi32>
    %rem3A = vector.broadcast %jit3A : i32 to vector<2048x512xi32>
    %rem3A_52 = arith.remsi %iota3A, %rem3A : vector<2048x512xi32>
    %ne3A_53 = arith.constant 0 : i32
    %ne3A_54 = vector.broadcast %ne3A_53 : i32 to vector<2048x512xi32>
    %ne3A_55 = arith.cmpi ne, %rem3A_52, %ne3A_54 : vector<2048x512xi32>
    %and3A = arith.andi %ne3A_51, %ne3A_55 : vector<2048x512xi1>
    %sub3A = arith.constant 1 : i32
    %sub3A_56 = vector.broadcast %sub3A : i32 to vector<2048x512xi32>
    %sub3A_57 = arith.subi %div3A_35, %sub3A_56 : vector<2048x512xi32>
    %select_n3A = arith.select %and3A, %sub3A_57, %div3A_35 : vector<2048x512xi1>, vector<2048x512xi32>
    %eq3A = vector.broadcast %convert_element_type3A : vector<2048x1xi32> to vector<2048x512xi32>
    %eq3A_58 = arith.cmpi eq, %select_n3A, %eq3A : vector<2048x512xi32>
    %jit3A_59 = arith.constant 0.000000e+00 : f32
    %broadcast_in_dim3A = vector.broadcast %jit3A_59 : f32 to vector<2048x512xf32>
    %select_n3A_60 = arith.select %eq3A_58, %add3A_34, %broadcast_in_dim3A : vector<2048x512xi1>, vector<2048x512xf32>
    %iota3A_61 = tpu.iota {dimensions = array<i32: 0>} : vector<512x64xi32>
    %iota3A_62 = tpu.iota {dimensions = array<i32: 1>} : vector<512x64xi32>
    %jit3A_63 = arith.constant 64 : i32
    %eq3A_64 = arith.constant 0 : i32
    %eq3A_65 = arith.cmpi eq, %jit3A_63, %eq3A_64 : i32
    %jit3A_66 = arith.constant 1 : i32
    %select_n3A_67 = arith.select %eq3A_65, %jit3A_66, %jit3A_63 : i32
    %rem3A_68 = vector.broadcast %select_n3A_67 : i32 to vector<512x64xi32>
    %rem3A_69 = arith.remsi %iota3A_61, %rem3A_68 : vector<512x64xi32>
    %ne3A_70 = arith.constant 0 : i32
    %ne3A_71 = vector.broadcast %ne3A_70 : i32 to vector<512x64xi32>
    %ne3A_72 = arith.cmpi ne, %rem3A_69, %ne3A_71 : vector<512x64xi32>
    %lt3A = arith.constant 0 : i32
    %lt3A_73 = vector.broadcast %lt3A : i32 to vector<512x64xi32>
    %lt3A_74 = arith.cmpi slt, %rem3A_69, %lt3A_73 : vector<512x64xi32>
    %lt3A_75 = arith.constant 0 : i32
    %lt3A_76 = arith.cmpi slt, %select_n3A_67, %lt3A_75 : i32
    %ne3A_77 = vector.broadcast %lt3A_76 : i1 to vector<512x64xi1>
    %ne3A_78 = vector.broadcast %ne3A_77 : vector<512x64xi1> to vector<512x64xi1>
    %ne3A_79 = arith.xori %lt3A_74, %ne3A_78 : vector<512x64xi1>
    %and3A_80 = arith.andi %ne3A_79, %ne3A_72 : vector<512x64xi1>
    %add3A_81 = vector.broadcast %select_n3A_67 : i32 to vector<512x64xi32>
    %add3A_82 = arith.addi %rem3A_69, %add3A_81 : vector<512x64xi32>
    %select_n3A_83 = arith.select %and3A_80, %add3A_82, %rem3A_69 : vector<512x64xi1>, vector<512x64xi32>
    %eq3A_84 = arith.cmpi eq, %select_n3A_83, %iota3A_62 : vector<512x64xi32>
    %convert_element_type3A_85 = arith.extui %eq3A_84 : vector<512x64xi1> to vector<512x64xi32>
    %convert_element_type3A_86 = arith.sitofp %convert_element_type3A_85 : vector<512x64xi32> to vector<512x64xf32>
    %dot_general3A_87 = arith.constant dense<0.000000e+00> : vector<2048x64xf32>
    %dot_general3A_88 = tpu.matmul %select_n3A_60, %convert_element_type3A_86, %dot_general3A_87 {dimension_numbers = #tpu.dot_dimension_numbers<[1], [0], [0], [1], [0, 0, 1, 1], [], []>, transpose_lhs_hint = false} : vector<2048x512xf32>, vector<512x64xf32>, vector<2048x64xf32> -> vector<2048x64xf32>
    %mul3A = arith.constant 1.000000e-01 : f32
    %mul3A_89 = vector.broadcast %mul3A : f32 to vector<2048x64xf32>
    %mul3A_90 = arith.mulf %dot_general3A_88, %mul3A_89 : vector<2048x64xf32>
    %swap3A = arith.constant 0 : index
    %swap3A_91 = arith.constant 0 : index
    %swap3A_92 = vector.load %arg8[%swap3A, %swap3A_91] : memref<2048x64xf32, #tpu.memory_space<vmem>>, vector<2048x64xf32>
    tpu.vector_store %arg8[%swap3A, %swap3A_91], %mul3A_90 {strides = array<i32>} : memref<2048x64xf32, #tpu.memory_space<vmem>>, vector<2048x64xf32>,
    return
  }
  func.func @transform_0(%arg0: i32) -> (i32, i32) {
    %c0_i32 = arith.constant 0 : i32
    %c0_i32_0 = arith.constant 0 : i32
    return %arg0, %c0_i32 : i32, i32
  }
  func.func @transform_1(%arg0: i32) -> (i32, i32) {
    %c0_i32 = arith.constant 0 : i32
    %c0_i32_0 = arith.constant 0 : i32
    %c0_i32_1 = arith.constant 0 : i32
    return %c0_i32, %c0_i32_0 : i32, i32
  }
  func.func @transform_2(%arg0: i32) -> (i32, i32) {
    %c0_i32 = arith.constant 0 : i32
    %c0_i32_0 = arith.constant 0 : i32
    %c0_i32_1 = arith.constant 0 : i32
    return %c0_i32, %c0_i32_0 : i32, i32
  }
  func.func @transform_3(%arg0: i32) -> (i32, i32) {
    %c0_i32 = arith.constant 0 : i32
    %c0_i32_0 = arith.constant 0 : i32
    %c0_i32_1 = arith.constant 0 : i32
    return %c0_i32, %c0_i32_0 : i32, i32
  }
  func.func @transform_4(%arg0: i32) -> (i32, i32) {
    %c0_i32 = arith.constant 0 : i32
    %c0_i32_0 = arith.constant 0 : i32
    %c0_i32_1 = arith.constant 0 : i32
    return %c0_i32, %c0_i32_0 : i32, i32
  }
  func.func @transform_5(%arg0: i32) -> (i32, i32) {
    %c0_i32 = arith.constant 0 : i32
    %c0_i32_0 = arith.constant 0 : i32
    %c0_i32_1 = arith.constant 0 : i32
    return %c0_i32, %c0_i32_0 : i32, i32
  }
  func.func @transform_6(%arg0: i32) -> (i32, i32) {
    %c0_i32 = arith.constant 0 : i32
    %c0_i32_0 = arith.constant 0 : i32
    %c0_i32_1 = arith.constant 0 : i32
    return %c0_i32, %c0_i32_0 : i32, i32
  }
  func.func @transform_7(%arg0: i32) -> (i32, i32) {
    %c0_i32 = arith.constant 0 : i32
    %c0_i32_0 = arith.constant 0 : i32
    return %arg0, %c0_i32 : i32, i32
  }
}

</mosaic_0001>

<sc_bundles>
// kernel: kernel.4.cloned.1.call-start
scs
__scs_entry_jumppad:
0x0: {  	(pc) =	sbr.rel $0x88, $3  }
0x1: {  	(tag) =	ssettag $0x0;
	lr =	simm.s32 $0x1  }
0x2: {  	[smem:$0x3F99] =	sst lr;
	_ =	strace $0xD0000000  }
0x3: {  	_ = 	snop  }
0x4: {  	_ = 	snop  }
0x5: {  	_ = 	snop  }
0x6: {  	_ = 	snop  }
0x7: {  	_ = 	snop  }
__scs_overlays_trampoline_lowered:
0x8: {  	[smem:$0x3FA8] =	sst s0  }
0x9: {  	[smem:$0x3FA9] =	sst s1  }
0xa: {  	[smem:$0x3FAA] =	sst s2  }
0xb: {  	[smem:$0x3FAB] =	sst s3  }
0xc: {  	[smem:$0x3FAC] =	sst s4  }
0xd: {  	[smem:$0x3FAD] =	sst s5  }
0xe: {  	[smem:$0x3FAE] =	sst s6  }
0xf: {  	[smem:$0x3FAF] =	sst s7  }
0x10: {  	[smem:$0x3FB0] =	sst s8  }
0x11: {  	[smem:$0x3FB1] =	sst s9;
	s0 =	simm.s32 @!p0 $0x0  }
0x12: {  	s1 =	sld [smem:$0x3F97];
	s0 =	simm.s32 @p0 $0x1  }
0x13: {  	[smem:$0x3FB2] =	sst s0;
	s0 =	simm.s32 @!p1 $0x0  }
0x14: {  	s2 =	sld [smem:$0x3F96];
	s0 =	simm.s32 @p1 $0x1  }
0x15: {  	[smem:$0x3FB3] =	sst s0;
	s0 =	simm.s32 @!p2 $0x0  }
0x16: {  	s3 =	sld [smem:$0x3FDB];
	s0 =	simm.s32 @p2 $0x1  }
0x17: {  	s4 =	simm.s32 $0x1BF5;
	[smem:$0x3FB5] =	sst s0  }
0x18: {  	s0 =	sld [smem:$0x3F98];
	_ =	swait.ge [sflag:s4], $0x0  }
0x19: {  	s7 =	sld [smem:$0x3F99]  }
0x1a: {  	s8 =	sadd.s32 $0xFFFFE003, lr  }
0x1b: {  	s9 =	sadd.s32 $0xFFFFFEF7, lr;
	s5 =	simm.s32 $0xFFFFFFFF;
	p2 =	slt.u32 s8, $0xFFFFF086  }
0x1c: {  	p1 =	slt.u32 s9, $0xF7A;
	s5 =	simm.s32 @!p2 $0x0  }
0x1d: {  	s5 =	simm.s32 @p1 $0x1;
	p0 =	seq.s32 s7, s2  }
0x1e: {  	s7 =	smul.u32 @!p0 $0xF7A, s2;
	p2 =	seq.s32 @!p0 s5, $0x0  }
0x1f: {  	s9 =	smul.u32 $0xF7A, s1;
	s8 =	simm.s32 @!p0 $0x1BF5;
	p2 =	por !p2, p0  }
0x20: {  	[sflag:s8] =	ssyncset.s32 @!p0 $0xFFFFF086;
	s6 =	sadd.s32 @!p0 s3, s7;
	s7 =	simm.s32 @!p0 $0x108  }
0x21: {  	s3 =	sadd.s32 s3, s9;
	s6 =	sadd.s32 @!p0 $0x88, s6;
	s7 =	simm.s32 @p2 $0x1082  }
0x22: {  	[simem:s7], [sflag:s8] =	dma.local @!p0 [hbm:s6], $0xF7A  }
0x23: {  	s9 =	sor.u32 $0xD0000000, s2;
	s6 =	simm.s32 $0x108;
	_ =	swait.ge @!p0 [sflag:s8], $0x0  }
0x24: {  	s3 =	sadd.s32 $0x88, s3;
	s6 =	simm.s32 @!p1 $0x1082;
	[sflag:s4] =	ssyncset.s32 $0xFFFFF086  }
0x25: {  	[simem:s6], [sflag:s4] =	dma.local [hbm:s3], $0xF7A  }
0x26: {  	[smem:$0x3F99] =	sst s1;
	(tag) =	ssettag s2;
	_ =	strace s9  }
0x27: {  	s1 =	sld [smem:$0x3FA9]  }
0x28: {  	s2 =	sld [smem:$0x3FAA]  }
0x29: {  	s4 =	sld [smem:$0x3FAC]  }
0x2a: {  	p0 =	seq.s32 s5, $0x0;
	s5 =	sld [smem:$0x3FAD]  }
0x2b: {  	s6 =	sld [smem:$0x3FAE]  }
0x2c: {  	s7 =	sld [smem:$0x3FAF]  }
0x2d: {  	s3 =	simm.s32 $0x108;
	s8 =	sld [smem:$0x3FB0]  }
0x2e: {  	s3 =	simm.s32 @!p0 $0x1082;
	s9 =	sld [smem:$0x3FB1]  }
0x2f: {  	lr =	sadd.s32 s0, s3;
	s0 =	sld [smem:$0x3FA8]  }
0x30: {  	s3 =	sld [smem:$0x3FAB]  }
0x31: {  	[smem:$0x3FB4] =	sst s10  }
0x32: {  	s10 =	sld [smem:$0x3FB2];
	_ =	sdelay $0x3  }
0x33: {  	p0 =	seq.s32 s10, $0x1;
	s10 =	sld [smem:$0x3FB4];
	_ =	sdelay $0x3  }
0x34: {  	[smem:$0x3FB4] =	sst s10  }
0x35: {  	s10 =	sld [smem:$0x3FB3];
	_ =	sdelay $0x3  }
0x36: {  	p1 =	seq.s32 s10, $0x1;
	s10 =	sld [smem:$0x3FB4];
	_ =	sdelay $0x3  }
0x37: {  	[smem:$0x3FB4] =	sst s10  }
0x38: {  	s10 =	sld [smem:$0x3FB5]  }
0x39: {  	_ = 	snop;
	(pc) =	sbr.ind lr, $3  }
0x3a: {  	_ = 	snop  }
0x3b: {  	_ = 	snop  }
0x3c: {  	p2 =	seq.s32 s10, $0x1;
	s10 =	sld [smem:$0x3FB4]  }
0x3d: {  	_ =	shalt  }
0x3e: {  	_ =	shalt  }
0x3f: {  	_ =	shalt  }
0x40: {  	_ =	shalt  }
0x41: {  	_ =	shalt  }
0x42: {  	_ =	shalt  }
0x43: {  	_ =	shalt  }
0x44: {  	_ =	shalt  }
0x45: {  	_ =	shalt  }
0x46: {  	_ =	shalt  }
0x47: {  	_ =	shalt  }
0x48: {  	_ =	shalt  }
0x49: {  	_ =	shalt  }
0x4a: {  	_ =	shalt  }
0x4b: {  	_ =	shalt  }
0x4c: {  	_ =	shalt  }
0x4d: {  	_ =	shalt  }
0x4e: {  	_ =	shalt  }
0x4f: {  	_ =	shalt  }
0x50: {  	_ =	shalt  }
0x51: {  	_ =	shalt  }
0x52: {  	_ =	shalt  }
0x53: {  	_ =	shalt  }
0x54: {  	_ =	shalt  }
0x55: {  	_ =	shalt  }
0x56: {  	_ =	shalt  }
0x57: {  	_ =	shalt  }
0x58: {  	_ =	shalt  }
0x59: {  	_ =	shalt  }
0x5a: {  	_ =	shalt  }
0x5b: {  	_ =	shalt  }
0x5c: {  	_ =	shalt  }
0x5d: {  	_ =	shalt  }
0x5e: {  	_ =	shalt  }
0x5f: {  	_ =	shalt  }
0x60: {  	_ =	shalt  }
0x61: {  	_ =	shalt  }
0x62: {  	_ =	shalt  }
0x63: {  	_ =	shalt  }
0x64: {  	_ =	shalt  }
0x65: {  	_ =	shalt  }
0x66: {  	_ =	shalt  }
0x67: {  	_ =	shalt  }
0x68: {  	_ =	shalt  }
0x69: {  	_ =	shalt  }
0x6a: {  	_ =	shalt  }
0x6b: {  	_ =	shalt  }
0x6c: {  	_ =	shalt  }
0x6d: {  	_ =	shalt  }
0x6e: {  	_ =	shalt  }
0x6f: {  	_ =	shalt  }
0x70: {  	_ =	shalt  }
0x71: {  	_ =	shalt  }
0x72: {  	_ =	shalt  }
0x73: {  	_ =	shalt  }
0x74: {  	_ =	shalt  }
0x75: {  	_ =	shalt  }
0x76: {  	_ =	shalt  }
0x77: {  	_ =	shalt  }
0x78: {  	_ =	shalt  }
0x79: {  	_ =	shalt  }
0x7a: {  	_ =	shalt  }
0x7b: {  	_ =	shalt  }
0x7c: {  	_ =	shalt  }
0x7d: {  	_ =	shalt  }
0x7e: {  	_ =	shalt  }
0x7f: {  	_ =	shalt  }
0x80: {  	_ =	shalt  }
0x81: {  	_ =	shalt  }
0x82: {  	_ =	shalt  }
0x83: {  	_ =	shalt  }
0x84: {  	_ =	shalt  }
0x85: {  	_ =	shalt  }
0x86: {  	_ =	shalt  }
0x87: {  	_ =	shalt  }
.Lfunc_end0:
.L_simem_size_0:
called_computation_lowered:
.L_overlay_start_0:
0x88: {  	s2 =	sld [smem:$0x3FD9]  }
0x89: {  	s3 =	sld [smem:$0x3FFE];
	_ =	sdelay $0x1  }
0x8a: {  	s1 =	srdreg.scid  }
0x8b: {  	s0 =	sand.u32 $0x1, s1  }
0x8c: {  	s17 =	sshll.u32 s0, $0xA;
	s2 =	sadd.s32 s3, s2  }
0x8d: {  	s2 =	sadd.s32 s2, s17  }
0x8e: {  	[smem:$0x3FC0] =	sst s2  }
0x8f: {  	_ = 	snop  }
0x90: {  	s2 =	sld [smem:$0x3FC2];
	(tm) =	ssettm $0x1  }
0x91: {  	s18 =	sld [smem:$0x3FFB];
	_ =	sdelay $0x3  }
0x92: {  	_ =	strace s18  }
0x93: {  	s3 =	sld [smem:$0x3FFC];
	_ =	sdelay $0x3  }
0x94: {  	_ =	strace s3  }
0x95: {  	s3 =	sld [smem:$0x3FFD];
	_ =	sdelay $0x3  }
0x96: {  	_ =	strace s3  }
0x97: {  	_ =	strace $0x8FFFFFFF  }
0x98: {  	s19 =	sld [smem:$0x3FDB];
	_ =	sdelay $0x1  }
0x99: {  	s4 =	simm.s32 $_scs_section_size  }
0x9a: {  	s5 =	simm.s32 $_size__tile_overlayer_lowered;
	s6 =	simm.s32 $_tile_overlayer_lowered  }
0x9b: {  	s22 =	simm.s32 $0x1BFF;
	s21 =	sshll.u32 s6, $0x1;
	s3 =	sadd.s32 s4, s19  }
0x9c: {  	s7 =	simm.s32 $0x0;
	s20 =	sshll.u32 s5, $0x1;
	s5 =	sadd.s32 s21, s3  }
0x9d: {  	[timem:s7], [sflag:s22] =	dma.local [hbm:s5], s20  }
0x9e: {  	_ =	swait.ge [sflag:s22], s20  }
0x9f: {  	s4 =	ssub.s32 $0x0, s20;
	[sflag:s22] =	ssyncset.done $0x0  }
0xa0: {  	[sflag:s22] =	ssyncadd.s32 s4;
	_ =	sdelay $0x1  }
0xa1: {  	s23 =	simm.s32 $0x1B8B  }
0xa2: {  	_ =	swait.ge [sflag:s23], $0x1  }
0xa3: {  	[sflag:s23] =	ssyncset.done $0x0  }
0xa4: {  	s25 =	simm.s32 $0x1B8E;
	s24 =	sld [smem:$0x3FFE];
	[sflag:s23] =	ssyncadd.s32 $0xFFFFFFFF  }
0xa5: {  	s26 =	simm.s32 $execute0_lowered;
	[smem:$0x3FD2] =	sst s25  }
0xa6: {  	s5 =	sshll.u32 s26, $0x1;
	_ =	strace $0x80000046;
	[dreg:$0x1] =	wrdreg $0xFFFFFFFF  }
0xa7: {  	s28 =	simm.s32 $_size_execute0_lowered;
	s3 =	sadd.s32 s3, s5;
	[dreg:$0x0] =	wrdreg $0x0  }
0xa8: {  	s5 =	sshll.u32 s28, $0x1;
	[dreg:$0x2] =	wrdreg s3  }
0xa9: {  	[dreg:$0x3] =	wrdreg s5  }
0xaa: {  	[dreg:$0x4] =	wrdreg $0xC0  }
0xab: {  	_ =	task [dreg:s7], $0x5FFFF  }
0xac: {  	[dreg:$0x1] =	wrdreg $0xFFFFFFFF  }
0xad: {  	[dreg:$0x0] =	wrdreg $0x60  }
0xae: {  	[dreg:$0x2] =	wrdreg s2  }
0xaf: {  	[dreg:$0x3] =	wrdreg s24  }
0xb0: {  	[dreg:$0x4] =	wrdreg $0x9  }
0xb1: {  	_ =	task.clear_ibuf [dreg:s7], $0x5FFFF;
	_ =	strace $0x90000046  }
0xb2: {  	s29 =	simm.s32 $0x9;
	_ =	strace $0x80000048  }
0xb3: {  	_ =	swait.ge [sflag:s29], $0x1  }
0xb4: {  	[sflag:s29] =	ssyncadd.s32 $0xFFFFFFFF  }
0xb5: {  	_ =	strace $0x90000048  }
0xb6: {  	_ =	sfence  }
0xb7: {  	s30 =	sld [smem:$0x0];
	_ =	sdelay $0x2  }
0xb8: {  	s31 =	sshll.u32 s1, $0xD;
	s1 =	sshrl.u32 s1, $0x2  }
0xb9: {  	s3 =	sand.u32 $0x4000, s31;
	s1 =	sadd.s32 s1, s30  }
0xba: {  	s0 =	sor.u32 s3, s0;
	s1 =	sshll.u32 s1, $0x11  }
0xbb: {  	s0 =	sor.u32 s1, s0  }
0xbc: {  	s0 =	sadd.s32 $0x8F2B, s0  }
0xbd: {  	[sflag:s0] =	ssyncadd.remote.s32 $0x1  }
0xbe: {  	_ =	sfence.sel $0xFFFF  }
0xbf: {  	[dreg:$0x0] =	wrdreg $0xFFFFFFFF;
	(pc) =	sbr.abs _section_cstart, $3  }
0xc0: {  	[dreg:$0x1] =	wrdreg $0xFFFFFFFF  }
0xc1: {  	_ =	task.clear_ibuf [dreg:s7], $0x2FFFF;
	_ =	strace $0x9FFFFFFF  }
0xc2: {  	(tm) =	ssettm $0x7FFFFFFF  }
0xc3: {  	_ =	shalt  }
tec
execute0_lowered:
.L_overlay_start_1:
0x0: {  	(tag) =	ssettag $0x1  }
0x1: {  	s2 =	rddreg [dreg:$0x0]  }
0x2: {  	s4 =	rddreg [dreg:$0x1];
	s3 =	srdreg.scid  }
0x3: {  	s0 =	rddreg [dreg:$0x2];
	s1 =	stileid.u32;
	s9 =	simm.s32 $0x1  }
0x4: {  	s10 =	simm.s32 $0x80;
	s11 =	simm.s32 $0x0;
	s5 =	sand.u32 $0x1, s3  }
0x5: {  	s3 =	simm.s32 $0x0;
	s6 =	sshll.u32 s1, $0xE;
	s7 =	sshll.u32 s5, $0xD  }
0x6: {  	[smem:$0x7FF] =	sst s3;
	s5 =	ssub.s32 $0x2, s5;
	s6 =	sor.u32 s7, s6  }
0x7: {  	_ =	strace $0x80000047;
	s31 =	sshrl.u32 s5, $0x1;
	s7 =	sadd.s32 s6, s4  }
0x8: {  	s8 =	ssub.s32 s5, s31;
	s4 =	sadd.s32 $0x1000, s7;
	s5 =	sadd.s32 $0x1800, s7  }
0x9: {  	s6 =	sadd.s32 $0x2000, s7;
	s7 =	sadd.s32 $0x2800, s7;
	s8 =	smax.u32 s8, $0x1  }
.LBB2_1:
0xa: {  	[tilespmem:s3], [sflag:$0x1] =	stream.linear.gather [hbm4b:s2+s3], $0x80, $0x38;
	[tilespmem:$0x4080] =	vst v63  }
0xb: {  	_ =	swait.ge [sflag:s9], $0x80  }
0xc: {  	[sflag:s9] =	ssyncset.done $0x0  }
0xd: {  	[sflag:s9] =	ssyncadd.s32 $0xFFFFFF80  }
0xe: {  	v0 =	vld [tilespmem:$0x0]  }
0xf: {  	v1 =	vld [tilespmem:$0x10]  }
0x10: {  	v2 =	vld [tilespmem:$0x20]  }
0x11: {  	v3 =	vld [tilespmem:$0x30];
	_ =	sdelay $0x1  }
0x12: {  	v0 =	vmul.f32 $1.442695020e+00, v0  }
0x13: {  	v1 =	vmul.f32 $1.442695020e+00, v1  }
0x14: {  	(erf) = vpow2.f32 v0;
	v0 =	vmul.f32 $1.442695020e+00, v2  }
0x15: {  	(erf) = vpow2.f32 v1;
	v1 =	vmul.f32 $1.442695020e+00, v3  }
0x16: {  	(erf) = vpow2.f32 v0  }
0x17: {  	(erf) = vpow2.f32 v1;
	_ =	sdelay $0x5  }
0x18: {  	v0 =	vpop (erf)  }
0x19: {  	v1 =	vpop (erf)  }
0x1a: {  	v0 =	vmax.f32 v0, $1.000000050e-03;
	v2 =	vpop (erf)  }
0x1b: {  	v0 =	vmin.f32 v0, $1.000000000e+00;
	v3 =	vpop (erf)  }
0x1c: {  	v1 =	vmax.f32 v1, $1.000000050e-03;
	v2 =	vmax.f32 v2, $1.000000050e-03;
	v3 =	vmax.f32 v3, $1.000000050e-03  }
0x1d: {  	s13 =	simm.s32 $0x200;
	s12 =	simm.s32 $0x0;
	v1 =	vmin.f32 v1, $1.000000000e+00;
	v2 =	vmin.f32 v2, $1.000000000e+00;
	v3 =	vmin.f32 v3, $1.000000000e+00  }
.LBB2_2:
0x1e: {  	p0 =	sne.s32 s13, $0xFE00;
	[tilespmem:s12+$0xB0] =	vst v3;
	s14 =	smov.u32 s13;
	s13 =	sadd.s32 $0x200, s13  }
.Ltmp0:
0x1f: {  	[tilespmem:s12+$0xA0] =	vst v2;
	(pc) =	sbr.rel @p0 .LBB2_2-.Ltmp0, $3  }
0x20: {  	[tilespmem:s12+$0x80] =	vst v0  }
0x21: {  	[tilespmem:s12+$0x90] =	vst v1;
	_ =	sdelay $0x1  }
0x22: {  	s12 =	sshra.s32 s14, $0x2  }
0x23: {  	[tilespmem:s12+$0xB0] =	vst v3  }
0x24: {  	[tilespmem:s12+$0xA0] =	vst v2  }
0x25: {  	[tilespmem:s12+$0x80] =	vst v0  }
0x26: {  	[tilespmem:s12+$0x90] =	vst v1  }
0x27: {  	[hbm4b:s4+s3] =	stream.linear.scatter [tilespmem:s10], [sflag:$0x1], $0x4000, $0x38;
	[tilespmem:$0x4080] =	vst v63  }
0x28: {  	_ =	swait.ge [sflag:s9], $0x4000  }
0x29: {  	[sflag:s9] =	ssyncset.done $0x0  }
0x2a: {  	[sflag:s9] =	ssyncadd.s32 $0xFFFFC000  }
0x2b: {  	[hbm4b:s5+s3] =	stream.linear.scatter [tilespmem:s10], [sflag:$0x1], $0x4000, $0x38;
	[tilespmem:$0x4080] =	vst v63  }
0x2c: {  	_ =	swait.ge [sflag:s9], $0x4000  }
0x2d: {  	[sflag:s9] =	ssyncset.done $0x0  }
0x2e: {  	[sflag:s9] =	ssyncadd.s32 $0xFFFFC000  }
0x2f: {  	[hbm4b:s6+s3] =	stream.linear.scatter [tilespmem:s10], [sflag:$0x1], $0x4000, $0x38;
	[tilespmem:$0x4080] =	vst v63  }
0x30: {  	s11 =	sadd.s32 $0x1, s11;
	_ =	swait.ge [sflag:s9], $0x4000  }
0x31: {  	p0 =	sne.s32 s11, s8;
	[sflag:s9] =	ssyncset.done $0x0  }
.Ltmp1:
0x32: {  	[sflag:s9] =	ssyncadd.s32 $0xFFFFC000;
	(pc) =	sbr.rel @p0 .LBB2_1-.Ltmp1, $4  }
0x33: {  	[hbm4b:s7+s3] =	stream.linear.scatter [tilespmem:s10], [sflag:$0x1], $0x4000, $0x38;
	[tilespmem:$0x4080] =	vst v63  }
0x34: {  	_ =	swait.ge [sflag:s9], $0x4000  }
0x35: {  	[sflag:s9] =	ssyncset.done $0x0  }
0x36: {  	[sflag:s9] =	ssyncadd.s32 $0xFFFFC000  }
0x37: {  	_ =	sfence.sel $0x180000  }
0x38: {  	[bflag:$0x0] =	sbarrier.arrive $0xFFFF  }
0x39: {  	p0 =	sne.s32 s1, $0x0;
	_ =	strace $0x90000047  }
0x3a: {  	s0 =	sadd.s32 @!p0 $0x100000, s0;
	[bflag:$0x2] =	sbarrier.arrive $0xFFFF  }
0x3b: {  	[sflag:s0] =	ssyncadd.tile.s32 @!p0 $0x1;
	_ =	shalt  }
.Lfunc_end2:
_tile_overlayer_lowered:
.L_overlay_start_2:
0x3c: {  	(tag) =	ssettag $0x2  }
0x3d: {  	s0 =	rddreg [dreg:$0x0];
	s2 =	stileid.u32  }
0x3e: {  	s1 =	rddreg [dreg:$0x1];
	p0 =	sne.s32 s2, $0x0  }
0x3f: {  	s3 =	rddreg [dreg:$0x2];
	[bflag:$0x3] =	sbarrier.arrive $0xFFFF;
	s2 =	simm.s32 @!p0 $0x1C01  }
0x40: {  	[timem:s3], [sflag:s2] =	dma.local @!p0 [hbm:s0], s1  }
0x41: {  	s0 =	simm.s32 @!p0 $0x1  }
0x42: {  	_ =	swait.ge @!p0 [sflag:s0], s1  }
0x43: {  	s1 =	ssub.s32 @!p0 $0x0, s1;
	[sflag:s0] =	ssyncset.done @!p0 $0x0  }
0x44: {  	[sflag:s0] =	ssyncadd.s32 @!p0 s1  }
0x45: {  	[bflag:$0x3] =	sbarrier.arrive $0xFFFF  }
0x46: {  	_ =	shalt  }

</sc_bundles>
